<compile_context>
chip_gen: v7x
topology: tpu7x:2x2x1
jax: 0.10.2.dev20260603
libtpu: 0.0.44.dev20260713+nightly
codegen_flags: <defaults>
</compile_context>

<pallas_src>
import jax
import jax.numpy as jnp
from jax import lax
from jax.experimental import pallas as pl
from jax.experimental.pallas import tpu as pltpu
from jax.experimental.pallas import tpu_sc as plsc

OUT_F = 2048
IN_F = 2048
GROUPS = 256
GSIZE = 8
NW = 32
ROWS_PER_W = OUT_F // NW
VALS_PER_W = ROWS_PER_W * IN_F
CODES_PER_W = ROWS_PER_W * GROUPS
CHUNK_VALS = 16384
NCHUNK = VALS_PER_W // CHUNK_VALS
ITERS = CHUNK_VALS // 16


def _sc_dequant(codes0, codes1, t0, t1):
    mesh = plsc.VectorSubcoreMesh(core_axis_name="c", subcore_axis_name="s")

    def body(c0_hbm, c1_hbm, t0_hbm, t1_hbm, w_hbm, c0_v, c1_v, t0_v, t1_v, out_v):
        wid = lax.axis_index("s") * 2 + lax.axis_index("c")
        cbase = wid * CODES_PER_W
        vbase = wid * VALS_PER_W
        pltpu.sync_copy(t0_hbm, t0_v)
        pltpu.sync_copy(t1_hbm, t1_v)
        pltpu.sync_copy(c0_hbm.at[pl.ds(cbase, CODES_PER_W)], c0_v)
        pltpu.sync_copy(c1_hbm.at[pl.ds(cbase, CODES_PER_W)], c1_v)
        lane = lax.iota(jnp.int32, 16)
        hi = lane >> 3
        lane8 = lane & 7

        def chunk(c, carry):
            def it(i, carry2):
                v0 = i * 16
                vg = c * CHUNK_VALS + v0
                ridx = vg >> 11
                g0 = (vg & 2047) >> 3
                cidx = (ridx * GROUPS + g0) + hi
                cc0 = plsc.load_gather(c0_v, [cidx])
                cc1 = plsc.load_gather(c1_v, [cidx])
                a = plsc.load_gather(t0_v, [(cc0 << 3) + lane8])
                b = plsc.load_gather(t1_v, [(cc1 << 3) + lane8])
                out_v[pl.ds(v0, 16)] = a + b
                return carry2

            lax.fori_loop(0, ITERS, it, 0, unroll=4)
            pltpu.sync_copy(out_v, w_hbm.at[pl.ds(vbase + c * CHUNK_VALS, CHUNK_VALS)])
            return carry

        lax.fori_loop(0, NCHUNK, chunk, 0)

    f = pl.kernel(
        body,
        out_type=jax.ShapeDtypeStruct((OUT_F * IN_F,), jnp.float32),
        mesh=mesh,
        compiler_params=pltpu.CompilerParams(needs_layout_passes=False),
        scratch_types=[
            pltpu.VMEM((CODES_PER_W,), jnp.int32),
            pltpu.VMEM((CODES_PER_W,), jnp.int32),
            pltpu.VMEM((GROUPS * GSIZE,), jnp.float32),
            pltpu.VMEM((GROUPS * GSIZE,), jnp.float32),
            pltpu.VMEM((CHUNK_VALS,), jnp.float32),
        ],
    )
    return f(codes0, codes1, t0, t1)


def _mm_body(x_ref, w_ref, s_ref, b_ref, o_ref):
    acc = lax.dot_general(
        x_ref[...], w_ref[...].astype(jnp.bfloat16),
        (((1,), (1,)), ((), ())), preferred_element_type=jnp.float32)
    o_ref[...] = acc * s_ref[...] + b_ref[...]


def _tc_matmul(xb, w, s2, b2):
    m, k = xb.shape
    n = w.shape[0]
    bm, bn = 1024, 1024
    return pl.pallas_call(
        _mm_body,
        grid=(m // bm, n // bn),
        in_specs=[
            pl.BlockSpec((bm, k), lambda i, j: (i, 0)),
            pl.BlockSpec((bn, k), lambda i, j: (j, 0)),
            pl.BlockSpec((1, bn), lambda i, j: (0, j)),
            pl.BlockSpec((1, bn), lambda i, j: (0, j)),
        ],
        out_specs=pl.BlockSpec((bm, bn), lambda i, j: (i, j)),
        out_shape=jax.ShapeDtypeStruct((m, n), jnp.float32),
    )(xb, w, s2, b2)


def kernel(x, codes, codebooks, scales, bias):
    b, s, in_f = x.shape
    codes0 = codes[:, :, 0].reshape(-1)
    codes1 = codes[:, :, 1].reshape(-1)
    t0 = codebooks[0].reshape(-1)
    t1 = codebooks[1].reshape(-1)
    w_flat = _sc_dequant(codes0, codes1, t0, t1)
    w = w_flat.reshape(OUT_F, IN_F)
    xb = x.reshape(b * s, in_f).astype(jnp.bfloat16)
    s2 = scales.reshape(1, OUT_F)
    b2 = bias.reshape(1, OUT_F)
    out = _tc_matmul(xb, w, s2, b2)
    return out.reshape(b, s, OUT_F)

# --- scband reference (transcript-rebuilt; emitter-appended) ---
"""Pipeline reference for scband-quantized-linear-31241592111614 (READ-ONLY COPY).

The authoritative reference and input builder live on the scoring server;
editing this copy changes nothing except your own understanding.
"""

import jax, jax.numpy as jnp
import numpy as np

IN_FEATURES = 2048
OUT_FEATURES = 2048
IN_GROUP = 8
OUT_GROUP = 1
NUM_CODEBOOKS = 2
CODEBOOK_SIZE = 256
NUM_IN_GROUPS = IN_FEATURES // IN_GROUP
NUM_OUT_GROUPS = OUT_FEATURES // OUT_GROUP


def _dequantize_weight(codes, codebooks, scales):
    # codes: [num_out_groups, num_in_groups, num_codebooks] int
    # codebooks: [num_codebooks, codebook_size, out_group_size, in_group_size]
    # scales: broadcastable with [num_out_groups, num_in_groups, out_group_size, in_group_size]
    num_codebooks, codebook_size, out_group_size, in_group_size = codebooks.shape
    num_out_groups, num_in_groups, _ = codes.shape
    codebook_offsets = jnp.arange(num_codebooks, dtype=codes.dtype) * codebook_size
    flat_codebooks = codebooks.reshape(num_codebooks * codebook_size, out_group_size * in_group_size)
    idx = codes.reshape(-1, num_codebooks) + codebook_offsets[None, :]
    # embedding_bag(mode='sum'): gather then sum over the codebook axis
    gathered = jnp.take(flat_codebooks, idx, axis=0)  # [G, num_codebooks, og*ig]
    recon_flat = gathered.sum(axis=1)  # [G, og*ig]
    recon = recon_flat.reshape(num_out_groups, num_in_groups, out_group_size, in_group_size)
    recon = recon * scales
    weight = jnp.swapaxes(recon, -3, -2).reshape(num_out_groups * out_group_size, num_in_groups * in_group_size)
    return weight


def setup_inputs(seed: int = 0) -> dict:
    key = jax.random.key(seed)
    k1, k2, k3, k4, k5 = jax.random.split(key, 5)
    x = jax.random.normal(k1, (1, 2048, IN_FEATURES), dtype=jnp.float32)
    codes = jax.random.randint(k2, (NUM_OUT_GROUPS, NUM_IN_GROUPS, NUM_CODEBOOKS), 0, CODEBOOK_SIZE, dtype=jnp.int32)
    codebooks = jax.random.normal(k3, (NUM_CODEBOOKS, CODEBOOK_SIZE, OUT_GROUP, IN_GROUP), dtype=jnp.float32) * 0.05
    scales = jax.random.uniform(k4, (NUM_OUT_GROUPS, 1, 1, 1), dtype=jnp.float32, minval=0.5, maxval=1.5)
    bias = jax.random.normal(k5, (OUT_FEATURES,), dtype=jnp.float32) * 0.01
    return {"x": x, "codes": codes, "codebooks": codebooks, "scales": scales, "bias": bias}


def reference(x, codes, codebooks, scales, bias):
    # QuantizedLinear.forward: dequantize the weight from codes, then F.linear
    weight = _dequantize_weight(codes, codebooks, scales)  # [out_features, in_features]
    out = jnp.einsum('bsi,oi->bso', x, weight) + bias
    return out

if __name__ == "__main__":
    import jax
    _d = setup_inputs()
    print(jax.jit(kernel)(*tuple(_d.values())))

</pallas_src>

<mosaic_0001>
#map = affine_map<(d0, d1) -> (0)>
module attributes {stable_mosaic.version = 14 : i64} {
  func.func @body(%arg0: i32, %arg1: i32, %arg2: memref<524288xi32, #tpu.memory_space<hbm>>, %arg3: memref<524288xi32, #tpu.memory_space<hbm>>, %arg4: memref<2048xf32, #tpu.memory_space<hbm>>, %arg5: memref<2048xf32, #tpu.memory_space<hbm>>, %arg6: memref<4194304xf32, #tpu.memory_space<hbm>>, %arg7: memref<16384xi32, #tpu.memory_space<vmem>>, %arg8: memref<16384xi32, #tpu.memory_space<vmem>>, %arg9: memref<2048xf32, #tpu.memory_space<vmem>>, %arg10: memref<2048xf32, #tpu.memory_space<vmem>>, %arg11: memref<16384xf32, #tpu.memory_space<vmem>>) attributes {dimension_semantics = [#tpu.dimension_semantics<core_parallel>, #tpu.dimension_semantics<subcore_parallel>], iteration_bounds = array<i64: 2, 16>, scalar_prefetch = 0 : i64, scratch_operands = 5 : i64, tpu.core_type = #tpu.core_type<sc_vector_subcore>, window_params = [{transform_indices = #map}, {transform_indices = #map}, {transform_indices = #map}, {transform_indices = #map}, {transform_indices = #map}]} {
    %mul3A = arith.constant 2 : i32
    %mul3A_0 = arith.muli %arg1, %mul3A : i32
    %add3A = arith.addi %mul3A_0, %arg0 : i32
    %mul3A_1 = arith.constant 16384 : i32
    %mul3A_2 = arith.muli %add3A, %mul3A_1 : i32
    %mul3A_3 = arith.constant 131072 : i32
    %mul3A_4 = arith.muli %add3A, %mul3A_3 : i32
    "tpu.region"() ({
      %run_scoped3A = tpu.sem_alloc : memref<!tpu.dma_semaphore, #tpu.memory_space<semaphore_mem>>
      tpu.enqueue_dma source(%arg4 : memref<2048xf32, #tpu.memory_space<hbm>>) target(%arg9 : memref<2048xf32, #tpu.memory_space<vmem>>) target_semaphore(%run_scoped3A : memref<!tpu.dma_semaphore, #tpu.memory_space<semaphore_mem>>)
      tpu.wait_dma2 semaphore(%run_scoped3A : memref<!tpu.dma_semaphore, #tpu.memory_space<semaphore_mem>>) src(%arg4 : memref<2048xf32, #tpu.memory_space<hbm>>) dst(%arg9 : memref<2048xf32, #tpu.memory_space<vmem>>)
      tpu.yield
    }) : () -> ()
    "tpu.region"() ({
      %run_scoped3A = tpu.sem_alloc : memref<!tpu.dma_semaphore, #tpu.memory_space<semaphore_mem>>
      tpu.enqueue_dma source(%arg5 : memref<2048xf32, #tpu.memory_space<hbm>>) target(%arg10 : memref<2048xf32, #tpu.memory_space<vmem>>) target_semaphore(%run_scoped3A : memref<!tpu.dma_semaphore, #tpu.memory_space<semaphore_mem>>)
      tpu.wait_dma2 semaphore(%run_scoped3A : memref<!tpu.dma_semaphore, #tpu.memory_space<semaphore_mem>>) src(%arg5 : memref<2048xf32, #tpu.memory_space<hbm>>) dst(%arg10 : memref<2048xf32, #tpu.memory_space<vmem>>)
      tpu.yield
    }) : () -> ()
    "tpu.region"() ({
      %run_scoped3A = tpu.sem_alloc : memref<!tpu.dma_semaphore, #tpu.memory_space<semaphore_mem>>
      %dma_start3A = tpu.memref_slice %arg2[%mul3A_2] : memref<524288xi32, #tpu.memory_space<hbm>> -> memref<16384xi32, #tpu.memory_space<hbm>>
      %dma_start3A_14 = tpu.memref_slice %arg2[%mul3A_2] : memref<524288xi32, #tpu.memory_space<hbm>> -> memref<16384xi32, #tpu.memory_space<hbm>>
      tpu.enqueue_dma source(%dma_start3A_14 : memref<16384xi32, #tpu.memory_space<hbm>>) target(%arg7 : memref<16384xi32, #tpu.memory_space<vmem>>) target_semaphore(%run_scoped3A : memref<!tpu.dma_semaphore, #tpu.memory_space<semaphore_mem>>)
      %dma_wait3A = tpu.memref_slice %arg2[%mul3A_2] : memref<524288xi32, #tpu.memory_space<hbm>> -> memref<16384xi32, #tpu.memory_space<hbm>>
      %dma_wait3A_15 = tpu.memref_slice %arg2[%mul3A_2] : memref<524288xi32, #tpu.memory_space<hbm>> -> memref<16384xi32, #tpu.memory_space<hbm>>
      tpu.wait_dma2 semaphore(%run_scoped3A : memref<!tpu.dma_semaphore, #tpu.memory_space<semaphore_mem>>) src(%dma_wait3A_15 : memref<16384xi32, #tpu.memory_space<hbm>>) dst(%arg7 : memref<16384xi32, #tpu.memory_space<vmem>>)
      tpu.yield
    }) : () -> ()
    "tpu.region"() ({
      %run_scoped3A = tpu.sem_alloc : memref<!tpu.dma_semaphore, #tpu.memory_space<semaphore_mem>>
      %dma_start3A = tpu.memref_slice %arg3[%mul3A_2] : memref<524288xi32, #tpu.memory_space<hbm>> -> memref<16384xi32, #tpu.memory_space<hbm>>
      %dma_start3A_14 = tpu.memref_slice %arg3[%mul3A_2] : memref<524288xi32, #tpu.memory_space<hbm>> -> memref<16384xi32, #tpu.memory_space<hbm>>
      tpu.enqueue_dma source(%dma_start3A_14 : memref<16384xi32, #tpu.memory_space<hbm>>) target(%arg8 : memref<16384xi32, #tpu.memory_space<vmem>>) target_semaphore(%run_scoped3A : memref<!tpu.dma_semaphore, #tpu.memory_space<semaphore_mem>>)
      %dma_wait3A = tpu.memref_slice %arg3[%mul3A_2] : memref<524288xi32, #tpu.memory_space<hbm>> -> memref<16384xi32, #tpu.memory_space<hbm>>
      %dma_wait3A_15 = tpu.memref_slice %arg3[%mul3A_2] : memref<524288xi32, #tpu.memory_space<hbm>> -> memref<16384xi32, #tpu.memory_space<hbm>>
      tpu.wait_dma2 semaphore(%run_scoped3A : memref<!tpu.dma_semaphore, #tpu.memory_space<semaphore_mem>>) src(%dma_wait3A_15 : memref<16384xi32, #tpu.memory_space<hbm>>) dst(%arg8 : memref<16384xi32, #tpu.memory_space<vmem>>)
      tpu.yield
    }) : () -> ()
    %iota3A = tpu.iota {dimensions = array<i32: 0>} : vector<16xi32>
    %shift_right_arithmetic3A = arith.constant 3 : i32
    %shift_right_arithmetic3A_5 = vector.broadcast %shift_right_arithmetic3A : i32 to vector<16xi32>
    %shift_right_arithmetic3A_6 = arith.shrsi %iota3A, %shift_right_arithmetic3A_5 : vector<16xi32>
    %and3A = arith.constant 7 : i32
    %and3A_7 = vector.broadcast %and3A : i32 to vector<16xi32>
    %and3A_8 = arith.andi %iota3A, %and3A_7 : vector<16xi32>
    %scan3A = arith.constant 0 : i32
    %scan3A_9 = arith.constant 0 : i32
    %scan3A_10 = arith.constant 8 : i32
    %scan3A_11 = arith.addi %scan3A_9, %scan3A_10 : i32
    %scan3A_12 = arith.constant 1 : i32
    scf.for %scan3A_14 = %scan3A_9 to %scan3A_11 step %scan3A_12  : i32 {
      %scan3A_15 = arith.constant 0 : i32
      %scan3A_16 = arith.constant 0 : i32
      %scan3A_17 = arith.constant 1024 : i32
      %scan3A_18 = arith.addi %scan3A_16, %scan3A_17 : i32
      %scan3A_19 = arith.constant 4 : i32
      scf.for %scan3A_24 = %scan3A_16 to %scan3A_18 step %scan3A_19  : i32 {
        %mul3A_25 = arith.constant 16 : i32
        %mul3A_26 = arith.muli %scan3A_24, %mul3A_25 : i32
        %mul3A_27 = arith.constant 16384 : i32
        %mul3A_28 = arith.muli %scan3A_14, %mul3A_27 : i32
        %add3A_29 = arith.addi %mul3A_28, %mul3A_26 : i32
        %shift_right_arithmetic3A_30 = arith.constant 11 : i32
        %shift_right_arithmetic3A_31 = arith.shrsi %add3A_29, %shift_right_arithmetic3A_30 : i32
        %and3A_32 = arith.constant 2047 : i32
        %and3A_33 = arith.andi %add3A_29, %and3A_32 : i32
        %shift_right_arithmetic3A_34 = arith.constant 3 : i32
        %shift_right_arithmetic3A_35 = arith.shrsi %and3A_33, %shift_right_arithmetic3A_34 : i32
        %mul3A_36 = arith.constant 256 : i32
        %mul3A_37 = arith.muli %shift_right_arithmetic3A_31, %mul3A_36 : i32
        %add3A_38 = arith.addi %mul3A_37, %shift_right_arithmetic3A_35 : i32
        %add3A_39 = vector.broadcast %add3A_38 : i32 to vector<16xi32>
        %add3A_40 = arith.addi %add3A_39, %shift_right_arithmetic3A_6 : vector<16xi32>
        %gather3A = tpu.vector_load_idx %arg7[%add3A_40] : memref<16384xi32, #tpu.memory_space<vmem>>[vector<16xi32>], vector<16xi32>,
        %gather3A_41 = tpu.vector_load_idx %arg8[%add3A_40] : memref<16384xi32, #tpu.memory_space<vmem>>[vector<16xi32>], vector<16xi32>,
        %shift_left3A = arith.constant 3 : i32
        %shift_left3A_42 = vector.broadcast %shift_left3A : i32 to vector<16xi32>
        %shift_left3A_43 = arith.shli %gather3A, %shift_left3A_42 : vector<16xi32>
        %add3A_44 = arith.addi %shift_left3A_43, %and3A_8 : vector<16xi32>
        %gather3A_45 = tpu.vector_load_idx %arg9[%add3A_44] : memref<2048xf32, #tpu.memory_space<vmem>>[vector<16xi32>], vector<16xf32>,
        %shift_left3A_46 = arith.constant 3 : i32
        %shift_left3A_47 = vector.broadcast %shift_left3A_46 : i32 to vector<16xi32>
        %shift_left3A_48 = arith.shli %gather3A_41, %shift_left3A_47 : vector<16xi32>
        %add3A_49 = arith.addi %shift_left3A_48, %and3A_8 : vector<16xi32>
        %gather3A_50 = tpu.vector_load_idx %arg10[%add3A_49] : memref<2048xf32, #tpu.memory_space<vmem>>[vector<16xi32>], vector<16xf32>,
        %add3A_51 = arith.addf %gather3A_45, %gather3A_50 : vector<16xf32>
        %swap3A = arith.index_cast %mul3A_26 : i32 to index
        %swap3A_52 = tpu.vector_load %arg11[%swap3A] {strides = array<i32>} : memref<16384xf32, #tpu.memory_space<vmem>>, vector<16xf32>,
        tpu.vector_store %arg11[%swap3A], %add3A_51 {strides = array<i32>} : memref<16384xf32, #tpu.memory_space<vmem>>, vector<16xf32>,
        %scan3A_53 = arith.constant 1 : i32
        %scan3A_54 = arith.addi %scan3A_24, %scan3A_53 : i32
        %mul3A_55 = arith.constant 16 : i32
        %mul3A_56 = arith.muli %scan3A_54, %mul3A_55 : i32
        %mul3A_57 = arith.constant 16384 : i32
        %mul3A_58 = arith.muli %scan3A_14, %mul3A_57 : i32
        %add3A_59 = arith.addi %mul3A_58, %mul3A_56 : i32
        %shift_right_arithmetic3A_60 = arith.constant 11 : i32
        %shift_right_arithmetic3A_61 = arith.shrsi %add3A_59, %shift_right_arithmetic3A_60 : i32
        %and3A_62 = arith.constant 2047 : i32
        %and3A_63 = arith.andi %add3A_59, %and3A_62 : i32
        %shift_right_arithmetic3A_64 = arith.constant 3 : i32
        %shift_right_arithmetic3A_65 = arith.shrsi %and3A_63, %shift_right_arithmetic3A_64 : i32
        %mul3A_66 = arith.constant 256 : i32
        %mul3A_67 = arith.muli %shift_right_arithmetic3A_61, %mul3A_66 : i32
        %add3A_68 = arith.addi %mul3A_67, %shift_right_arithmetic3A_65 : i32
        %add3A_69 = vector.broadcast %add3A_68 : i32 to vector<16xi32>
        %add3A_70 = arith.addi %add3A_69, %shift_right_arithmetic3A_6 : vector<16xi32>
        %gather3A_71 = tpu.vector_load_idx %arg7[%add3A_70] : memref<16384xi32, #tpu.memory_space<vmem>>[vector<16xi32>], vector<16xi32>,
        %gather3A_72 = tpu.vector_load_idx %arg8[%add3A_70] : memref<16384xi32, #tpu.memory_space<vmem>>[vector<16xi32>], vector<16xi32>,
        %shift_left3A_73 = arith.constant 3 : i32
        %shift_left3A_74 = vector.broadcast %shift_left3A_73 : i32 to vector<16xi32>
        %shift_left3A_75 = arith.shli %gather3A_71, %shift_left3A_74 : vector<16xi32>
        %add3A_76 = arith.addi %shift_left3A_75, %and3A_8 : vector<16xi32>
        %gather3A_77 = tpu.vector_load_idx %arg9[%add3A_76] : memref<2048xf32, #tpu.memory_space<vmem>>[vector<16xi32>], vector<16xf32>,
        %shift_left3A_78 = arith.constant 3 : i32
        %shift_left3A_79 = vector.broadcast %shift_left3A_78 : i32 to vector<16xi32>
        %shift_left3A_80 = arith.shli %gather3A_72, %shift_left3A_79 : vector<16xi32>
        %add3A_81 = arith.addi %shift_left3A_80, %and3A_8 : vector<16xi32>
        %gather3A_82 = tpu.vector_load_idx %arg10[%add3A_81] : memref<2048xf32, #tpu.memory_space<vmem>>[vector<16xi32>], vector<16xf32>,
        %add3A_83 = arith.addf %gather3A_77, %gather3A_82 : vector<16xf32>
        %swap3A_84 = arith.index_cast %mul3A_56 : i32 to index
        %swap3A_85 = tpu.vector_load %arg11[%swap3A_84] {strides = array<i32>} : memref<16384xf32, #tpu.memory_space<vmem>>, vector<16xf32>,
        tpu.vector_store %arg11[%swap3A_84], %add3A_83 {strides = array<i32>} : memref<16384xf32, #tpu.memory_space<vmem>>, vector<16xf32>,
        %scan3A_86 = arith.constant 2 : i32
        %scan3A_87 = arith.addi %scan3A_24, %scan3A_86 : i32
        %mul3A_88 = arith.constant 16 : i32
        %mul3A_89 = arith.muli %scan3A_87, %mul3A_88 : i32
        %mul3A_90 = arith.constant 16384 : i32
        %mul3A_91 = arith.muli %scan3A_14, %mul3A_90 : i32
        %add3A_92 = arith.addi %mul3A_91, %mul3A_89 : i32
        %shift_right_arithmetic3A_93 = arith.constant 11 : i32
        %shift_right_arithmetic3A_94 = arith.shrsi %add3A_92, %shift_right_arithmetic3A_93 : i32
        %and3A_95 = arith.constant 2047 : i32
        %and3A_96 = arith.andi %add3A_92, %and3A_95 : i32
        %shift_right_arithmetic3A_97 = arith.constant 3 : i32
        %shift_right_arithmetic3A_98 = arith.shrsi %and3A_96, %shift_right_arithmetic3A_97 : i32
        %mul3A_99 = arith.constant 256 : i32
        %mul3A_100 = arith.muli %shift_right_arithmetic3A_94, %mul3A_99 : i32
        %add3A_101 = arith.addi %mul3A_100, %shift_right_arithmetic3A_98 : i32
        %add3A_102 = vector.broadcast %add3A_101 : i32 to vector<16xi32>
        %add3A_103 = arith.addi %add3A_102, %shift_right_arithmetic3A_6 : vector<16xi32>
        %gather3A_104 = tpu.vector_load_idx %arg7[%add3A_103] : memref<16384xi32, #tpu.memory_space<vmem>>[vector<16xi32>], vector<16xi32>,
        %gather3A_105 = tpu.vector_load_idx %arg8[%add3A_103] : memref<16384xi32, #tpu.memory_space<vmem>>[vector<16xi32>], vector<16xi32>,
        %shift_left3A_106 = arith.constant 3 : i32
        %shift_left3A_107 = vector.broadcast %shift_left3A_106 : i32 to vector<16xi32>
        %shift_left3A_108 = arith.shli %gather3A_104, %shift_left3A_107 : vector<16xi32>
        %add3A_109 = arith.addi %shift_left3A_108, %and3A_8 : vector<16xi32>
        %gather3A_110 = tpu.vector_load_idx %arg9[%add3A_109] : memref<2048xf32, #tpu.memory_space<vmem>>[vector<16xi32>], vector<16xf32>,
        %shift_left3A_111 = arith.constant 3 : i32
        %shift_left3A_112 = vector.broadcast %shift_left3A_111 : i32 to vector<16xi32>
        %shift_left3A_113 = arith.shli %gather3A_105, %shift_left3A_112 : vector<16xi32>
        %add3A_114 = arith.addi %shift_left3A_113, %and3A_8 : vector<16xi32>
        %gather3A_115 = tpu.vector_load_idx %arg10[%add3A_114] : memref<2048xf32, #tpu.memory_space<vmem>>[vector<16xi32>], vector<16xf32>,
        %add3A_116 = arith.addf %gather3A_110, %gather3A_115 : vector<16xf32>
        %swap3A_117 = arith.index_cast %mul3A_89 : i32 to index
        %swap3A_118 = tpu.vector_load %arg11[%swap3A_117] {strides = array<i32>} : memref<16384xf32, #tpu.memory_space<vmem>>, vector<16xf32>,
        tpu.vector_store %arg11[%swap3A_117], %add3A_116 {strides = array<i32>} : memref<16384xf32, #tpu.memory_space<vmem>>, vector<16xf32>,
        %scan3A_119 = arith.constant 3 : i32
        %scan3A_120 = arith.addi %scan3A_24, %scan3A_119 : i32
        %mul3A_121 = arith.constant 16 : i32
        %mul3A_122 = arith.muli %scan3A_120, %mul3A_121 : i32
        %mul3A_123 = arith.constant 16384 : i32
        %mul3A_124 = arith.muli %scan3A_14, %mul3A_123 : i32
        %add3A_125 = arith.addi %mul3A_124, %mul3A_122 : i32
        %shift_right_arithmetic3A_126 = arith.constant 11 : i32
        %shift_right_arithmetic3A_127 = arith.shrsi %add3A_125, %shift_right_arithmetic3A_126 : i32
        %and3A_128 = arith.constant 2047 : i32
        %and3A_129 = arith.andi %add3A_125, %and3A_128 : i32
        %shift_right_arithmetic3A_130 = arith.constant 3 : i32
        %shift_right_arithmetic3A_131 = arith.shrsi %and3A_129, %shift_right_arithmetic3A_130 : i32
        %mul3A_132 = arith.constant 256 : i32
        %mul3A_133 = arith.muli %shift_right_arithmetic3A_127, %mul3A_132 : i32
        %add3A_134 = arith.addi %mul3A_133, %shift_right_arithmetic3A_131 : i32
        %add3A_135 = vector.broadcast %add3A_134 : i32 to vector<16xi32>
        %add3A_136 = arith.addi %add3A_135, %shift_right_arithmetic3A_6 : vector<16xi32>
        %gather3A_137 = tpu.vector_load_idx %arg7[%add3A_136] : memref<16384xi32, #tpu.memory_space<vmem>>[vector<16xi32>], vector<16xi32>,
        %gather3A_138 = tpu.vector_load_idx %arg8[%add3A_136] : memref<16384xi32, #tpu.memory_space<vmem>>[vector<16xi32>], vector<16xi32>,
        %shift_left3A_139 = arith.constant 3 : i32
        %shift_left3A_140 = vector.broadcast %shift_left3A_139 : i32 to vector<16xi32>
        %shift_left3A_141 = arith.shli %gather3A_137, %shift_left3A_140 : vector<16xi32>
        %add3A_142 = arith.addi %shift_left3A_141, %and3A_8 : vector<16xi32>
        %gather3A_143 = tpu.vector_load_idx %arg9[%add3A_142] : memref<2048xf32, #tpu.memory_space<vmem>>[vector<16xi32>], vector<16xf32>,
        %shift_left3A_144 = arith.constant 3 : i32
        %shift_left3A_145 = vector.broadcast %shift_left3A_144 : i32 to vector<16xi32>
        %shift_left3A_146 = arith.shli %gather3A_138, %shift_left3A_145 : vector<16xi32>
        %add3A_147 = arith.addi %shift_left3A_146, %and3A_8 : vector<16xi32>
        %gather3A_148 = tpu.vector_load_idx %arg10[%add3A_147] : memref<2048xf32, #tpu.memory_space<vmem>>[vector<16xi32>], vector<16xf32>,
        %add3A_149 = arith.addf %gather3A_143, %gather3A_148 : vector<16xf32>
        %swap3A_150 = arith.index_cast %mul3A_122 : i32 to index
        %swap3A_151 = tpu.vector_load %arg11[%swap3A_150] {strides = array<i32>} : memref<16384xf32, #tpu.memory_space<vmem>>, vector<16xf32>,
        tpu.vector_store %arg11[%swap3A_150], %add3A_149 {strides = array<i32>} : memref<16384xf32, #tpu.memory_space<vmem>>, vector<16xf32>,
      }
      %scan3A_20 = arith.constant 1024 : i32
      %mul3A_21 = arith.constant 16384 : i32
      %mul3A_22 = arith.muli %scan3A_14, %mul3A_21 : i32
      %add3A_23 = arith.addi %mul3A_4, %mul3A_22 : i32
      "tpu.region"() ({
        %run_scoped3A = tpu.sem_alloc : memref<!tpu.dma_semaphore, #tpu.memory_space<semaphore_mem>>
        %dma_start3A = tpu.memref_slice %arg6[%add3A_23] : memref<4194304xf32, #tpu.memory_space<hbm>> -> memref<16384xf32, #tpu.memory_space<hbm>>
        %dma_start3A_24 = tpu.memref_slice %arg6[%add3A_23] : memref<4194304xf32, #tpu.memory_space<hbm>> -> memref<16384xf32, #tpu.memory_space<hbm>>
        tpu.enqueue_dma source(%arg11 : memref<16384xf32, #tpu.memory_space<vmem>>) target(%dma_start3A_24 : memref<16384xf32, #tpu.memory_space<hbm>>) target_semaphore(%run_scoped3A : memref<!tpu.dma_semaphore, #tpu.memory_space<semaphore_mem>>)
        %dma_wait3A = tpu.memref_slice %arg6[%add3A_23] : memref<4194304xf32, #tpu.memory_space<hbm>> -> memref<16384xf32, #tpu.memory_space<hbm>>
        %dma_wait3A_25 = tpu.memref_slice %arg6[%add3A_23] : memref<4194304xf32, #tpu.memory_space<hbm>> -> memref<16384xf32, #tpu.memory_space<hbm>>
        tpu.wait_dma2 semaphore(%run_scoped3A : memref<!tpu.dma_semaphore, #tpu.memory_space<semaphore_mem>>) src(%arg11 : memref<16384xf32, #tpu.memory_space<vmem>>) dst(%dma_wait3A_25 : memref<16384xf32, #tpu.memory_space<hbm>>)
        tpu.yield
      }) : () -> ()
    }
    %scan3A_13 = arith.constant 8 : i32
    return
  }
}

module attributes {stable_mosaic.version = 14 : i64} {
  func.func @_mm_body(%arg0: i32, %arg1: i32, %arg2: memref<1024x2048xbf16, #tpu.memory_space<vmem>>, %arg3: memref<1024x2048xf32, #tpu.memory_space<vmem>>, %arg4: memref<1x1024xf32, #tpu.memory_space<vmem>>, %arg5: memref<1x1024xf32, #tpu.memory_space<vmem>>, %arg6: memref<1024x1024xf32, #tpu.memory_space<vmem>>) attributes {dimension_semantics = [#tpu.dimension_semantics<arbitrary>, #tpu.dimension_semantics<arbitrary>], iteration_bounds = array<i64: 2, 2>, scalar_prefetch = 0 : i64, scratch_operands = 0 : i64, tpu.core_type = #tpu.core_type<tc>, window_params = [{transform_indices = @transform_0, window_bounds = array<i64: 1024, 2048>}, {transform_indices = @transform_1, window_bounds = array<i64: 1024, 2048>}, {transform_indices = @transform_2, window_bounds = array<i64: 1, 1024>}, {transform_indices = @transform_3, window_bounds = array<i64: 1, 1024>}, {transform_indices = @transform_4, window_bounds = array<i64: 1024, 1024>}]} {
    %get3A = arith.constant 0 : index
    %get3A_0 = arith.constant 0 : index
    %get3A_1 = vector.load %arg2[%get3A, %get3A_0] : memref<1024x2048xbf16, #tpu.memory_space<vmem>>, vector<1024x2048xbf16>
    %get3A_2 = arith.constant 0 : index
    %get3A_3 = arith.constant 0 : index
    %get3A_4 = vector.load %arg3[%get3A_2, %get3A_3] : memref<1024x2048xf32, #tpu.memory_space<vmem>>, vector<1024x2048xf32>
    %convert_element_type3A = arith.truncf %get3A_4 : vector<1024x2048xf32> to vector<1024x2048xbf16>
    %dot_general3A = arith.constant dense<0.000000e+00> : vector<1024x1024xf32>
    %dot_general3A_5 = tpu.matmul %get3A_1, %convert_element_type3A, %dot_general3A {dimension_numbers = #tpu.dot_dimension_numbers<[1], [1], [0], [0], [0, 0, 1, 0], [], []>, transpose_lhs_hint = false} : vector<1024x2048xbf16>, vector<1024x2048xbf16>, vector<1024x1024xf32> -> vector<1024x1024xf32>
    %get3A_6 = arith.constant 0 : index
    %get3A_7 = arith.constant 0 : index
    %get3A_8 = vector.load %arg4[%get3A_6, %get3A_7] : memref<1x1024xf32, #tpu.memory_space<vmem>>, vector<1x1024xf32>
    %mul3A = vector.broadcast %get3A_8 : vector<1x1024xf32> to vector<1024x1024xf32>
    %mul3A_9 = arith.mulf %dot_general3A_5, %mul3A : vector<1024x1024xf32>
    %get3A_10 = arith.constant 0 : index
    %get3A_11 = arith.constant 0 : index
    %get3A_12 = vector.load %arg5[%get3A_10, %get3A_11] : memref<1x1024xf32, #tpu.memory_space<vmem>>, vector<1x1024xf32>
    %add3A = vector.broadcast %get3A_12 : vector<1x1024xf32> to vector<1024x1024xf32>
    %add3A_13 = arith.addf %mul3A_9, %add3A : vector<1024x1024xf32>
    %swap3A = arith.constant 0 : index
    %swap3A_14 = arith.constant 0 : index
    %swap3A_15 = vector.load %arg6[%swap3A, %swap3A_14] : memref<1024x1024xf32, #tpu.memory_space<vmem>>, vector<1024x1024xf32>
    tpu.vector_store %arg6[%swap3A, %swap3A_14], %add3A_13 {strides = array<i32>} : memref<1024x1024xf32, #tpu.memory_space<vmem>>, vector<1024x1024xf32>,
    return
  }
  func.func @transform_0(%arg0: i32, %arg1: i32) -> (i32, i32) {
    %c0_i32 = arith.constant 0 : i32
    %c0_i32_0 = arith.constant 0 : i32
    return %arg0, %c0_i32 : i32, i32
  }
  func.func @transform_1(%arg0: i32, %arg1: i32) -> (i32, i32) {
    %c0_i32 = arith.constant 0 : i32
    %c0_i32_0 = arith.constant 0 : i32
    return %arg1, %c0_i32 : i32, i32
  }
  func.func @transform_2(%arg0: i32, %arg1: i32) -> (i32, i32) {
    %c0_i32 = arith.constant 0 : i32
    %c0_i32_0 = arith.constant 0 : i32
    return %c0_i32, %arg1 : i32, i32
  }
  func.func @transform_3(%arg0: i32, %arg1: i32) -> (i32, i32) {
    %c0_i32 = arith.constant 0 : i32
    %c0_i32_0 = arith.constant 0 : i32
    return %c0_i32, %arg1 : i32, i32
  }
  func.func @transform_4(%arg0: i32, %arg1: i32) -> (i32, i32) {
    %c0_i32 = arith.constant 0 : i32
    return %arg0, %arg1 : i32, i32
  }
}

</mosaic_0001>

<sc_bundles>
// kernel: kernel.4.cloned.1.call-start
scs
__scs_entry_jumppad:
0x0: {  	(pc) =	sbr.rel $0x88, $3  }
0x1: {  	(tag) =	ssettag $0x0;
	lr =	simm.s32 $0x1  }
0x2: {  	[smem:$0x3F9C] =	sst lr;
	_ =	strace $0xD0000000  }
0x3: {  	_ = 	snop  }
0x4: {  	_ = 	snop  }
0x5: {  	_ = 	snop  }
0x6: {  	_ = 	snop  }
0x7: {  	_ = 	snop  }
__scs_overlays_trampoline_lowered:
0x8: {  	[smem:$0x3FAB] =	sst s0  }
0x9: {  	[smem:$0x3FAC] =	sst s1  }
0xa: {  	[smem:$0x3FAD] =	sst s2  }
0xb: {  	[smem:$0x3FAE] =	sst s3  }
0xc: {  	[smem:$0x3FAF] =	sst s4  }
0xd: {  	[smem:$0x3FB0] =	sst s5  }
0xe: {  	[smem:$0x3FB1] =	sst s6  }
0xf: {  	[smem:$0x3FB2] =	sst s7  }
0x10: {  	[smem:$0x3FB3] =	sst s8  }
0x11: {  	[smem:$0x3FB4] =	sst s9;
	s0 =	simm.s32 @!p0 $0x0  }
0x12: {  	s1 =	sld [smem:$0x3F9A];
	s0 =	simm.s32 @p0 $0x1  }
0x13: {  	[smem:$0x3FB5] =	sst s0;
	s0 =	simm.s32 @!p1 $0x0  }
0x14: {  	s2 =	sld [smem:$0x3F99];
	s0 =	simm.s32 @p1 $0x1  }
0x15: {  	[smem:$0x3FB6] =	sst s0;
	s0 =	simm.s32 @!p2 $0x0  }
0x16: {  	s3 =	sld [smem:$0x3FDB];
	s0 =	simm.s32 @p2 $0x1  }
0x17: {  	s4 =	simm.s32 $0x1BF5;
	[smem:$0x3FB8] =	sst s0  }
0x18: {  	s0 =	sld [smem:$0x3F9B];
	_ =	swait.ge [sflag:s4], $0x0  }
0x19: {  	s7 =	sld [smem:$0x3F9C]  }
0x1a: {  	s8 =	sadd.s32 $0xFFFFE003, lr  }
0x1b: {  	s9 =	sadd.s32 $0xFFFFFEF7, lr;
	s5 =	simm.s32 $0xFFFFFFFF;
	p2 =	slt.u32 s8, $0xFFFFF086  }
0x1c: {  	p1 =	slt.u32 s9, $0xF7A;
	s5 =	simm.s32 @!p2 $0x0  }
0x1d: {  	s5 =	simm.s32 @p1 $0x1;
	p0 =	seq.s32 s7, s2  }
0x1e: {  	s7 =	smul.u32 @!p0 $0xF7A, s2;
	p2 =	seq.s32 @!p0 s5, $0x0  }
0x1f: {  	s9 =	smul.u32 $0xF7A, s1;
	s8 =	simm.s32 @!p0 $0x1BF5;
	p2 =	por !p2, p0  }
0x20: {  	[sflag:s8] =	ssyncset.s32 @!p0 $0xFFFFF086;
	s6 =	sadd.s32 @!p0 s3, s7;
	s7 =	simm.s32 @!p0 $0x108  }
0x21: {  	s3 =	sadd.s32 s3, s9;
	s6 =	sadd.s32 @!p0 $0x88, s6;
	s7 =	simm.s32 @p2 $0x1082  }
0x22: {  	[simem:s7], [sflag:s8] =	dma.local @!p0 [hbm:s6], $0xF7A  }
0x23: {  	s9 =	sor.u32 $0xD0000000, s2;
	s6 =	simm.s32 $0x108;
	_ =	swait.ge @!p0 [sflag:s8], $0x0  }
0x24: {  	s3 =	sadd.s32 $0x88, s3;
	s6 =	simm.s32 @!p1 $0x1082;
	[sflag:s4] =	ssyncset.s32 $0xFFFFF086  }
0x25: {  	[simem:s6], [sflag:s4] =	dma.local [hbm:s3], $0xF7A  }
0x26: {  	[smem:$0x3F9C] =	sst s1;
	(tag) =	ssettag s2;
	_ =	strace s9  }
0x27: {  	s1 =	sld [smem:$0x3FAC]  }
0x28: {  	s2 =	sld [smem:$0x3FAD]  }
0x29: {  	s4 =	sld [smem:$0x3FAF]  }
0x2a: {  	p0 =	seq.s32 s5, $0x0;
	s5 =	sld [smem:$0x3FB0]  }
0x2b: {  	s6 =	sld [smem:$0x3FB1]  }
0x2c: {  	s7 =	sld [smem:$0x3FB2]  }
0x2d: {  	s3 =	simm.s32 $0x108;
	s8 =	sld [smem:$0x3FB3]  }
0x2e: {  	s3 =	simm.s32 @!p0 $0x1082;
	s9 =	sld [smem:$0x3FB4]  }
0x2f: {  	lr =	sadd.s32 s0, s3;
	s0 =	sld [smem:$0x3FAB]  }
0x30: {  	s3 =	sld [smem:$0x3FAE]  }
0x31: {  	[smem:$0x3FB7] =	sst s10  }
0x32: {  	s10 =	sld [smem:$0x3FB5];
	_ =	sdelay $0x3  }
0x33: {  	p0 =	seq.s32 s10, $0x1;
	s10 =	sld [smem:$0x3FB7];
	_ =	sdelay $0x3  }
0x34: {  	[smem:$0x3FB7] =	sst s10  }
0x35: {  	s10 =	sld [smem:$0x3FB6];
	_ =	sdelay $0x3  }
0x36: {  	p1 =	seq.s32 s10, $0x1;
	s10 =	sld [smem:$0x3FB7];
	_ =	sdelay $0x3  }
0x37: {  	[smem:$0x3FB7] =	sst s10  }
0x38: {  	s10 =	sld [smem:$0x3FB8]  }
0x39: {  	_ = 	snop;
	(pc) =	sbr.ind lr, $3  }
0x3a: {  	_ = 	snop  }
0x3b: {  	_ = 	snop  }
0x3c: {  	p2 =	seq.s32 s10, $0x1;
	s10 =	sld [smem:$0x3FB7]  }
0x3d: {  	_ =	shalt  }
0x3e: {  	_ =	shalt  }
0x3f: {  	_ =	shalt  }
0x40: {  	_ =	shalt  }
0x41: {  	_ =	shalt  }
0x42: {  	_ =	shalt  }
0x43: {  	_ =	shalt  }
0x44: {  	_ =	shalt  }
0x45: {  	_ =	shalt  }
0x46: {  	_ =	shalt  }
0x47: {  	_ =	shalt  }
0x48: {  	_ =	shalt  }
0x49: {  	_ =	shalt  }
0x4a: {  	_ =	shalt  }
0x4b: {  	_ =	shalt  }
0x4c: {  	_ =	shalt  }
0x4d: {  	_ =	shalt  }
0x4e: {  	_ =	shalt  }
0x4f: {  	_ =	shalt  }
0x50: {  	_ =	shalt  }
0x51: {  	_ =	shalt  }
0x52: {  	_ =	shalt  }
0x53: {  	_ =	shalt  }
0x54: {  	_ =	shalt  }
0x55: {  	_ =	shalt  }
0x56: {  	_ =	shalt  }
0x57: {  	_ =	shalt  }
0x58: {  	_ =	shalt  }
0x59: {  	_ =	shalt  }
0x5a: {  	_ =	shalt  }
0x5b: {  	_ =	shalt  }
0x5c: {  	_ =	shalt  }
0x5d: {  	_ =	shalt  }
0x5e: {  	_ =	shalt  }
0x5f: {  	_ =	shalt  }
0x60: {  	_ =	shalt  }
0x61: {  	_ =	shalt  }
0x62: {  	_ =	shalt  }
0x63: {  	_ =	shalt  }
0x64: {  	_ =	shalt  }
0x65: {  	_ =	shalt  }
0x66: {  	_ =	shalt  }
0x67: {  	_ =	shalt  }
0x68: {  	_ =	shalt  }
0x69: {  	_ =	shalt  }
0x6a: {  	_ =	shalt  }
0x6b: {  	_ =	shalt  }
0x6c: {  	_ =	shalt  }
0x6d: {  	_ =	shalt  }
0x6e: {  	_ =	shalt  }
0x6f: {  	_ =	shalt  }
0x70: {  	_ =	shalt  }
0x71: {  	_ =	shalt  }
0x72: {  	_ =	shalt  }
0x73: {  	_ =	shalt  }
0x74: {  	_ =	shalt  }
0x75: {  	_ =	shalt  }
0x76: {  	_ =	shalt  }
0x77: {  	_ =	shalt  }
0x78: {  	_ =	shalt  }
0x79: {  	_ =	shalt  }
0x7a: {  	_ =	shalt  }
0x7b: {  	_ =	shalt  }
0x7c: {  	_ =	shalt  }
0x7d: {  	_ =	shalt  }
0x7e: {  	_ =	shalt  }
0x7f: {  	_ =	shalt  }
0x80: {  	_ =	shalt  }
0x81: {  	_ =	shalt  }
0x82: {  	_ =	shalt  }
0x83: {  	_ =	shalt  }
0x84: {  	_ =	shalt  }
0x85: {  	_ =	shalt  }
0x86: {  	_ =	shalt  }
0x87: {  	_ =	shalt  }
.Lfunc_end0:
.L_simem_size_0:
called_computation_lowered:
.L_overlay_start_0:
0x88: {  	s2 =	sld [smem:$0x3FD9]  }
0x89: {  	s3 =	sld [smem:$0x3FFE];
	_ =	sdelay $0x1  }
0x8a: {  	s1 =	srdreg.scid  }
0x8b: {  	s0 =	sand.u32 $0x1, s1  }
0x8c: {  	s17 =	sshll.u32 s0, $0xA;
	s2 =	sadd.s32 s3, s2  }
0x8d: {  	s2 =	sadd.s32 s2, s17  }
0x8e: {  	[smem:$0x3FC3] =	sst s2  }
0x8f: {  	_ = 	snop  }
0x90: {  	s2 =	sld [smem:$0x3FD0];
	(tm) =	ssettm $0x1  }
0x91: {  	s18 =	sld [smem:$0x3FFB];
	_ =	sdelay $0x3  }
0x92: {  	_ =	strace s18  }
0x93: {  	s3 =	sld [smem:$0x3FFC];
	_ =	sdelay $0x3  }
0x94: {  	_ =	strace s3  }
0x95: {  	s3 =	sld [smem:$0x3FFD];
	_ =	sdelay $0x3  }
0x96: {  	_ =	strace s3  }
0x97: {  	_ =	strace $0x8FFFFFFF  }
0x98: {  	s19 =	sld [smem:$0x3FDB];
	_ =	sdelay $0x1  }
0x99: {  	s4 =	simm.s32 $_scs_section_size  }
0x9a: {  	s5 =	simm.s32 $_size__tile_overlayer_lowered;
	s6 =	simm.s32 $_tile_overlayer_lowered  }
0x9b: {  	s22 =	simm.s32 $0x1BFF;
	s21 =	sshll.u32 s6, $0x1;
	s3 =	sadd.s32 s4, s19  }
0x9c: {  	s7 =	simm.s32 $0x0;
	s20 =	sshll.u32 s5, $0x1;
	s5 =	sadd.s32 s21, s3  }
0x9d: {  	[timem:s7], [sflag:s22] =	dma.local [hbm:s5], s20  }
0x9e: {  	_ =	swait.ge [sflag:s22], s20  }
0x9f: {  	s4 =	ssub.s32 $0x0, s20;
	[sflag:s22] =	ssyncset.done $0x0  }
0xa0: {  	[sflag:s22] =	ssyncadd.s32 s4;
	_ =	sdelay $0x1  }
0xa1: {  	s23 =	simm.s32 $0x1B8B  }
0xa2: {  	_ =	swait.ge [sflag:s23], $0x1  }
0xa3: {  	[sflag:s23] =	ssyncset.done $0x0  }
0xa4: {  	s25 =	simm.s32 $0x1B8E;
	s24 =	sld [smem:$0x3FFE];
	[sflag:s23] =	ssyncadd.s32 $0xFFFFFFFF  }
0xa5: {  	s26 =	simm.s32 $execute0_lowered;
	[smem:$0x3FD2] =	sst s25  }
0xa6: {  	s5 =	sshll.u32 s26, $0x1;
	_ =	strace $0x80000046;
	[dreg:$0x1] =	wrdreg $0xFFFFFFFF  }
0xa7: {  	s28 =	simm.s32 $_size_execute0_lowered;
	s3 =	sadd.s32 s3, s5;
	[dreg:$0x0] =	wrdreg $0x0  }
0xa8: {  	s5 =	sshll.u32 s28, $0x1;
	[dreg:$0x2] =	wrdreg s3  }
0xa9: {  	[dreg:$0x3] =	wrdreg s5  }
0xaa: {  	[dreg:$0x4] =	wrdreg $0xC0  }
0xab: {  	_ =	task [dreg:s7], $0x5FFFF  }
0xac: {  	[dreg:$0x1] =	wrdreg $0xFFFFFFFF  }
0xad: {  	[dreg:$0x0] =	wrdreg $0x60  }
0xae: {  	[dreg:$0x2] =	wrdreg s24  }
0xaf: {  	[dreg:$0x3] =	wrdreg s2  }
0xb0: {  	[dreg:$0x4] =	wrdreg $0x9  }
0xb1: {  	_ =	task.clear_ibuf [dreg:s7], $0x5FFFF;
	_ =	strace $0x90000046  }
0xb2: {  	s29 =	simm.s32 $0x9;
	_ =	strace $0x80000048  }
0xb3: {  	_ =	swait.ge [sflag:s29], $0x1  }
0xb4: {  	[sflag:s29] =	ssyncadd.s32 $0xFFFFFFFF  }
0xb5: {  	_ =	strace $0x90000048  }
0xb6: {  	_ =	sfence  }
0xb7: {  	s30 =	sld [smem:$0x0];
	_ =	sdelay $0x2  }
0xb8: {  	s31 =	sshll.u32 s1, $0xD;
	s1 =	sshrl.u32 s1, $0x2  }
0xb9: {  	s3 =	sand.u32 $0x4000, s31;
	s1 =	sadd.s32 s1, s30  }
0xba: {  	s0 =	sor.u32 s3, s0;
	s1 =	sshll.u32 s1, $0x11  }
0xbb: {  	s0 =	sor.u32 s1, s0  }
0xbc: {  	s0 =	sadd.s32 $0x8F2B, s0  }
0xbd: {  	[sflag:s0] =	ssyncadd.remote.s32 $0x1  }
0xbe: {  	_ =	sfence.sel $0xFFFF  }
0xbf: {  	[dreg:$0x0] =	wrdreg $0xFFFFFFFF;
	(pc) =	sbr.abs _section_cstart, $3  }
0xc0: {  	[dreg:$0x1] =	wrdreg $0xFFFFFFFF  }
0xc1: {  	_ =	task.clear_ibuf [dreg:s7], $0x2FFFF;
	_ =	strace $0x9FFFFFFF  }
0xc2: {  	(tm) =	ssettm $0x7FFFFFFF  }
0xc3: {  	_ =	shalt  }
tec
execute0_lowered:
.L_overlay_start_1:
0x0: {  	(tag) =	ssettag $0x1  }
0x1: {  	s4 =	rddreg [dreg:$0x0];
	s1 =	srdreg.scid  }
0x2: {  	s0 =	stileid.u32;
	s7 =	rddreg [dreg:$0x1];
	s2 =	simm.s32 $0x0  }
0x3: {  	s10 =	simm.s32 $0x1;
	s11 =	simm.s32 $0x8800;
	s12 =	simm.s32 $0x4000  }
0x4: {  	s13 =	simm.s32 $0x9000;
	s3 =	sand.u32 $0x1, s1;
	s1 =	rddreg [dreg:$0x2]  }
0x5: {  	s14 =	simm.s32 $0x0;
	s5 =	sshll.u32 s0, $0x1;
	[smem:$0x7FF] =	sst s2  }
0x6: {  	s5 =	sor.u32 s3, s5;
	_ =	strace $0x80000047;
	s8 =	ssub.s32 $0x2, s3  }
0x7: {  	s3 =	sadd.s32 $0x1E00, s4;
	s6 =	sshll.u32 s5, $0xB;
	s9 =	sshrl.u32 s8, $0x1  }
0x8: {  	s31 =	sshll.u32 s5, $0xE;
	s6 =	sadd.s32 s6, s4;
	s4 =	sadd.s32 $0x1C00, s4  }
0x9: {  	v1 =	vlaneseq.u32;
	s8 =	ssub.s32 s8, s9;
	s7 =	sadd.s32 s7, s31;
	s9 =	simm.s32 $0x8000  }
0xa: {  	v0 =	vshrl.u32 v1, $0x3;
	v1 =	vand.u32 $0x7, v1;
	s5 =	sadd.s32 $0x12000, s6;
	s6 =	sadd.s32 $0x2000, s6;
	s8 =	smax.u32 s8, $0x1  }
.LBB2_1:
0xb: {  	[tilespmem:s9], [sflag:$0x1] =	stream.linear.gather [hbm4b:s3+s2], $0x800, $0x38;
	[tilespmem:$0xD000] =	vst v63  }
0xc: {  	_ =	swait.ge [sflag:s10], $0x800  }
0xd: {  	[sflag:s10] =	ssyncset.done $0x0  }
0xe: {  	[sflag:s10] =	ssyncadd.s32 $0xFFFFF800  }
0xf: {  	[tilespmem:s11], [sflag:$0x1] =	stream.linear.gather [hbm4b:s4+s2], $0x800, $0x38;
	[tilespmem:$0xD000] =	vst v63  }
0x10: {  	_ =	swait.ge [sflag:s10], $0x800  }
0x11: {  	[sflag:s10] =	ssyncset.done $0x0  }
0x12: {  	[sflag:s10] =	ssyncadd.s32 $0xFFFFF800  }
0x13: {  	[tilespmem:s2], [sflag:$0x1] =	stream.linear.gather [hbm4b:s5+s2], $0x4000, $0x38;
	[tilespmem:$0xD000] =	vst v63  }
0x14: {  	_ =	swait.ge [sflag:s10], $0x4000  }
0x15: {  	[sflag:s10] =	ssyncset.done $0x0  }
0x16: {  	[sflag:s10] =	ssyncadd.s32 $0xFFFFC000  }
0x17: {  	[tilespmem:s12], [sflag:$0x1] =	stream.linear.gather [hbm4b:s6+s2], $0x4000, $0x38;
	[tilespmem:$0xD000] =	vst v63  }
0x18: {  	_ =	swait.ge [sflag:s10], $0x4000  }
0x19: {  	[sflag:s10] =	ssyncset.done $0x0  }
0x1a: {  	s15 =	simm.s32 $0x0;
	s16 =	simm.s32 $0x0;
	[sflag:s10] =	ssyncadd.s32 $0xFFFFC000  }
.LBB2_2:
0x1b: {  	s17 =	simm.s32 $0xFFFFFFFC;
	s18 =	simm.s32 $0x0;
	s19 =	simm.s32 $0x9020  }
.LBB2_3:
0x1c: {  	s20 =	sadd.s32 s18, s15  }
0x1d: {  	s21 =	sand.u32 $0xF8, s18;
	s20 =	sand.u32 $0x3F00, s20  }
0x1e: {  	s21 =	sor.u32 s21, s20  }
0x1f: {  	v2 =	vor.u32 s21, v0;
	_ =	sdelay $0x4  }
0x20: {  	v3 =	vld.idx.msk [tilespmem:v2+s2+$0x0], $0xffff  }
0x21: {  	v2 =	vld.idx.msk [tilespmem:v2+s12+$0x0], $0xffff;
	_ =	sdelay $0x3  }
0x22: {  	v3 =	vshll.u32 v3, $0x3  }
0x23: {  	v2 =	vshll.u32 v2, $0x3;
	v3 =	vor.u32 v1, v3  }
0x24: {  	v2 =	vor.u32 v1, v2;
	_ =	sdelay $0x3  }
0x25: {  	v3 =	vld.idx.msk [tilespmem:v3+s9+$0x0], $0xffff  }
0x26: {  	s29 =	sadd.s32 $0x2, s18;
	v2 =	vld.idx.msk [tilespmem:v2+s11+$0x0], $0xffff  }
0x27: {  	s21 =	sand.u32 $0xFA, s29  }
0x28: {  	s21 =	sor.u32 s21, s20  }
0x29: {  	v4 =	vor.u32 s21, v0;
	_ =	sdelay $0x1  }
0x2a: {  	v2 =	vadd.f32 v2, v3;
	_ =	sdelay $0x1  }
0x2b: {  	[tilespmem:s19+$0xFFFFFFE0] =	vst v2  }
0x2c: {  	v2 =	vld.idx.msk [tilespmem:v4+s2+$0x0], $0xffff  }
0x2d: {  	v3 =	vld.idx.msk [tilespmem:v4+s12+$0x0], $0xffff;
	_ =	sdelay $0x3  }
0x2e: {  	v2 =	vshll.u32 v2, $0x3  }
0x2f: {  	v3 =	vshll.u32 v3, $0x3;
	v2 =	vor.u32 v1, v2  }
0x30: {  	v3 =	vor.u32 v1, v3;
	_ =	sdelay $0x3  }
0x31: {  	v2 =	vld.idx.msk [tilespmem:v2+s9+$0x0], $0xffff  }
0x32: {  	s30 =	sadd.s32 $0x4, s18;
	v3 =	vld.idx.msk [tilespmem:v3+s11+$0x0], $0xffff  }
0x33: {  	s21 =	sand.u32 $0xFC, s30  }
0x34: {  	s21 =	sor.u32 s21, s20  }
0x35: {  	v62 =	vor.u32 s21, v0;
	_ =	sdelay $0x1  }
0x36: {  	v2 =	vadd.f32 v3, v2;
	_ =	sdelay $0x1  }
0x37: {  	[tilespmem:s19+$0xFFFFFFF0] =	vst v2  }
0x38: {  	v2 =	vld.idx.msk [tilespmem:v62+s2+$0x0], $0xffff  }
0x39: {  	v3 =	vld.idx.msk [tilespmem:v62+s12+$0x0], $0xffff;
	_ =	sdelay $0x3  }
0x3a: {  	v2 =	vshll.u32 v2, $0x3  }
0x3b: {  	v3 =	vshll.u32 v3, $0x3;
	v2 =	vor.u32 v1, v2  }
0x3c: {  	v3 =	vor.u32 v1, v3;
	_ =	sdelay $0x3  }
0x3d: {  	v2 =	vld.idx.msk [tilespmem:v2+s9+$0x0], $0xffff  }
0x3e: {  	s31 =	sadd.s32 $0x6, s18;
	v3 =	vld.idx.msk [tilespmem:v3+s11+$0x0], $0xffff  }
0x3f: {  	s21 =	sand.u32 $0xFE, s31  }
0x40: {  	s20 =	sor.u32 s21, s20  }
0x41: {  	v63 =	vor.u32 s20, v0;
	_ =	sdelay $0x1  }
0x42: {  	v2 =	vadd.f32 v3, v2;
	_ =	sdelay $0x1  }
0x43: {  	[tilespmem:s19+$0x0] =	vst v2  }
0x44: {  	v2 =	vld.idx.msk [tilespmem:v63+s2+$0x0], $0xffff  }
0x45: {  	v3 =	vld.idx.msk [tilespmem:v63+s12+$0x0], $0xffff;
	_ =	sdelay $0x3  }
0x46: {  	v2 =	vshll.u32 v2, $0x3  }
0x47: {  	v3 =	vshll.u32 v3, $0x3;
	v2 =	vor.u32 v1, v2  }
0x48: {  	v3 =	vor.u32 v1, v3;
	_ =	sdelay $0x3  }
0x49: {  	v2 =	vld.idx.msk [tilespmem:v2+s9+$0x0], $0xffff  }
0x4a: {  	v3 =	vld.idx.msk [tilespmem:v3+s11+$0x0], $0xffff  }
0x4b: {  	s17 =	sadd.s32 $0x4, s17  }
0x4c: {  	p0 =	slt.u32 s17, $0x3FC  }
.Ltmp0:
0x4d: {  	_ = 	snop;
	(pc) =	sbr.rel @p0 .LBB2_3-.Ltmp0, $3  }
0x4e: {  	_ = 	snop  }
0x4f: {  	v2 =	vadd.f32 v3, v2;
	_ =	sdelay $0x1  }
0x50: {  	s18 =	sadd.s32 $0x8, s18;
	[tilespmem:s19+$0x10] =	vst v2;
	s19 =	sadd.s32 $0x40, s19  }
0x51: {  	s17 =	sshll.u32 s16, $0xB;
	s16 =	sadd.s32 $0x1, s16  }
0x52: {  	p0 =	sne.s32 s16, $0x8  }
.Ltmp1:
0x53: {  	s17 =	sadd.s32 s17, s7;
	(pc) =	sbr.rel @p0 .LBB2_2-.Ltmp1, $4  }
0x54: {  	[hbm4b:s17+s2] =	stream.linear.scatter [tilespmem:s13], [sflag:$0x1], $0x4000, $0x38;
	[tilespmem:$0xD000] =	vst v63  }
0x55: {  	_ =	swait.ge [sflag:s10], $0x4000  }
0x56: {  	[sflag:s10] =	ssyncset.done $0x0  }
0x57: {  	s15 =	sadd.s32 $0x800, s15;
	[sflag:s10] =	ssyncadd.s32 $0xFFFFC000  }
0x58: {  	s14 =	sadd.s32 $0x1, s14  }
0x59: {  	p0 =	sne.s32 s14, s8  }
.Ltmp2:
0x5a: {  	_ = 	snop;
	(pc) =	sbr.rel @p0 .LBB2_1-.Ltmp2, $1  }
0x5b: {  	_ =	sdelay $0x3  }
0x5c: {  	_ =	sfence.sel $0x180000  }
0x5d: {  	[bflag:$0x0] =	sbarrier.arrive $0xFFFF  }
0x5e: {  	p0 =	sne.s32 s0, $0x0;
	_ =	strace $0x90000047  }
0x5f: {  	s0 =	sadd.s32 @!p0 $0x100000, s1;
	[bflag:$0x2] =	sbarrier.arrive $0xFFFF  }
0x60: {  	[sflag:s0] =	ssyncadd.tile.s32 @!p0 $0x1;
	_ =	shalt  }
.Lfunc_end2:
_tile_overlayer_lowered:
.L_overlay_start_2:
0x61: {  	(tag) =	ssettag $0x2  }
0x62: {  	s0 =	rddreg [dreg:$0x0];
	s2 =	stileid.u32  }
0x63: {  	s1 =	rddreg [dreg:$0x1];
	p0 =	sne.s32 s2, $0x0  }
0x64: {  	s3 =	rddreg [dreg:$0x2];
	[bflag:$0x3] =	sbarrier.arrive $0xFFFF;
	s2 =	simm.s32 @!p0 $0x1C01  }
0x65: {  	[timem:s3], [sflag:s2] =	dma.local @!p0 [hbm:s0], s1  }
0x66: {  	s0 =	simm.s32 @!p0 $0x1  }
0x67: {  	_ =	swait.ge @!p0 [sflag:s0], s1  }
0x68: {  	s1 =	ssub.s32 @!p0 $0x0, s1;
	[sflag:s0] =	ssyncset.done @!p0 $0x0  }
0x69: {  	[sflag:s0] =	ssyncadd.s32 @!p0 s1  }
0x6a: {  	[bflag:$0x3] =	sbarrier.arrive $0xFFFF  }
0x6b: {  	_ =	shalt  }

</sc_bundles>
